<compile_context>
chip_gen: v7x
topology: tpu7x:2x2x1
jax: 0.10.2.dev20260603
libtpu: 0.0.44.dev20260713+nightly
codegen_flags: <defaults>
</compile_context>

<pallas_src>
import jax
import jax.numpy as jnp
from jax.experimental import pallas as pl
from jax.experimental.pallas import tpu as pltpu

B, MAXLEN, LOC_LEN, EMB = 16, 128, 512, 32
SU, SL, TU, TL = 100.0, 0.0, 1000.0, 0.0

TT = 32


def _body(traj_len_ref, ds_ref, vec_ref, tabs_ref, out_ref):
    tc = pl.program_id(1)
    t0 = tc * TT
    tl_b = traj_len_ref[pl.program_id(0)]
    t_iota = jax.lax.broadcasted_iota(jnp.int32, (TT, 1), 0) + t0
    m = tl_b > t_iota

    esl = jnp.where(m, tabs_ref[0, 1], tabs_ref[0, 0])
    esu = jnp.where(m, tabs_ref[1, 1], tabs_ref[1, 0])
    etl = jnp.where(m, tabs_ref[2, 1], tabs_ref[2, 0])
    etu = jnp.where(m, tabs_ref[3, 1], tabs_ref[3, 0])

    dt = vec_ref[0]
    A = esl + etl + (etu - etl) * (dt * (1.0 / (TU - TL)))
    C = (esu - esl) * (1.0 / (SU - SL))

    ds4 = ds_ref[0]
    ds_exp = jnp.concatenate(
        [jnp.broadcast_to(ds4[:, :, d : d + 1], (TT, 128, 32)) for d in range(4)],
        axis=-1,
    )
    out_ref[0] = A[:, None, :] + C[:, None, :] * ds_exp


def kernel(traj_loc, mat2, vec, traj_len, emb_su, emb_sl, emb_tu, emb_tl):
    tabs = jnp.stack([emb_sl, emb_su, emb_tl, emb_tu])
    tabs = jnp.tile(tabs, (1, 1, 128 // EMB))
    ds4 = mat2.reshape(B, MAXLEN, LOC_LEN // 4, 4)
    grid = (B, MAXLEN // TT)
    out = pl.pallas_call(
        _body,
        grid_spec=pltpu.PrefetchScalarGridSpec(
            num_scalar_prefetch=1,
            grid=grid,
            in_specs=[
                pl.BlockSpec((1, TT, LOC_LEN // 4, 4), lambda b, t, tl: (b, t, 0, 0)),
                pl.BlockSpec((1, TT, 1), lambda b, t, tl: (b, t, 0)),
                pl.BlockSpec((4, 2, 128), lambda b, t, tl: (0, 0, 0)),
            ],
            out_specs=pl.BlockSpec(
                (1, TT, LOC_LEN // 4, 4 * EMB), lambda b, t, tl: (b, t, 0, 0)
            ),
        ),
        out_shape=jax.ShapeDtypeStruct(
            (B, MAXLEN, LOC_LEN // 4, 4 * EMB), jnp.float32
        ),
    )(traj_len.astype(jnp.int32), ds4, vec[..., None], tabs)
    return out.reshape(B, MAXLEN, LOC_LEN, EMB)

# --- scband reference (transcript-rebuilt; emitter-appended) ---
"""Pipeline reference for scband-embed-74783970558556 (READ-ONLY COPY).

The authoritative reference and input builder live on the scoring server;
editing this copy changes nothing except your own understanding.
"""

import jax, jax.numpy as jnp
import numpy as np

B, MAXLEN, LOC_LEN, EMB = 16, 128, 512, 32
SU, SL, TU, TL = 100.0, 0.0, 1000.0, 0.0

def setup_inputs(seed: int = 0) -> dict:
    key = jax.random.key(seed)
    ks = jax.random.split(key, 8)
    traj_loc = jax.random.randint(ks[0], (B, MAXLEN), 0, 512).astype(jnp.int64) if jax.config.jax_enable_x64 else jax.random.randint(ks[0], (B, MAXLEN), 0, 512)
    mat2 = jax.random.uniform(ks[1], (B, MAXLEN, LOC_LEN), dtype=jnp.float32)
    vec = jax.random.uniform(ks[2], (B, MAXLEN), dtype=jnp.float32)
    traj_len = jax.random.randint(ks[3], (B,), 0, MAXLEN)
    emb_su = jax.random.normal(ks[4], (2, EMB), dtype=jnp.float32)
    emb_sl = jax.random.normal(ks[5], (2, EMB), dtype=jnp.float32)
    emb_tu = jax.random.normal(ks[6], (2, EMB), dtype=jnp.float32)
    emb_tl = jax.random.normal(ks[7], (2, EMB), dtype=jnp.float32)
    return {"traj_loc": traj_loc, "mat2": mat2, "vec": vec, "traj_len": traj_len,
            "emb_su": emb_su, "emb_sl": emb_sl, "emb_tu": emb_tu, "emb_tl": emb_tl}

def reference(traj_loc, mat2, vec, traj_len, emb_su, emb_sl, emb_tu, emb_tl):
    maxlen = mat2.shape[1]
    delta_t = vec[..., None]  # [B, maxlen, 1]
    compare = jnp.arange(maxlen)[None, :]
    mask = (traj_len[:, None] > compare).astype(jnp.int32)  # [B, maxlen]
    mask = mask[..., None]  # [B, maxlen, 1]
    delta_s = mat2  # [B, maxlen, loc_len]
    esl = jnp.take(emb_sl, mask, axis=0)  # [B, maxlen, 1, emb]
    esu = jnp.take(emb_su, mask, axis=0)
    etl = jnp.take(emb_tl, mask, axis=0)
    etu = jnp.take(emb_tu, mask, axis=0)
    vsl = (delta_s - SL)[..., None]  # [B, maxlen, loc_len, 1]
    vsu = (SU - delta_s)[..., None]
    vtl = (delta_t - TL)[..., None]  # [B, maxlen, 1, 1]
    vtu = (TU - delta_t)[..., None]
    space_interval = (esl * vsu + esu * vsl) / (SU - SL)  # [B, maxlen, loc_len, emb]
    time_interval = (etl * vtu + etu * vtl) / (TU - TL)   # [B, maxlen, 1, emb]
    delta = space_interval + time_interval
    return delta

if __name__ == "__main__":
    import jax
    _d = setup_inputs()
    print(jax.jit(kernel)(*tuple(_d.values())))

</pallas_src>

<mosaic_0001>
module attributes {stable_mosaic.version = 14 : i64} {
  func.func @_body(%arg0: i32, %arg1: i32, %arg2: memref<16xi32, #tpu.memory_space<smem>>, %arg3: memref<1x32x128x4xf32, #tpu.memory_space<vmem>>, %arg4: memref<1x32x1xf32, #tpu.memory_space<vmem>>, %arg5: memref<4x2x128xf32, #tpu.memory_space<vmem>>, %arg6: memref<1x32x128x128xf32, #tpu.memory_space<vmem>>) attributes {dimension_semantics = [#tpu.dimension_semantics<arbitrary>, #tpu.dimension_semantics<arbitrary>], iteration_bounds = array<i64: 16, 4>, scalar_prefetch = 1 : i64, scratch_operands = 0 : i64, tpu.core_type = #tpu.core_type<tc>, window_params = [{transform_indices = @transform_0, window_bounds = array<i64: 1, 32, 128, 4>}, {transform_indices = @transform_1, window_bounds = array<i64: 1, 32, 1>}, {pipeline_mode = #tpu.pipeline_mode<synchronous>, transform_indices = @transform_2, window_bounds = array<i64: 4, 2, 128>}, {transform_indices = @transform_3, window_bounds = array<i64: 1, 32, 128, 128>}]} {
    %mul3A = arith.constant 32 : i32
    %mul3A_0 = arith.muli %arg1, %mul3A : i32
    %get3A = arith.index_cast %arg0 : i32 to index
    %get3A_1 = memref.load %arg2[%get3A] : memref<16xi32, #tpu.memory_space<smem>>
    %iota3A = tpu.iota {dimensions = array<i32: 0>} : vector<32x1xi32>
    %add3A = vector.broadcast %mul3A_0 : i32 to vector<32x1xi32>
    %add3A_2 = arith.addi %iota3A, %add3A : vector<32x1xi32>
    %gt3A = vector.broadcast %get3A_1 : i32 to vector<32x1xi32>
    %gt3A_3 = arith.cmpi sgt, %gt3A, %add3A_2 : vector<32x1xi32>
    %get3A_4 = arith.constant 0 : index
    %get3A_5 = arith.constant 1 : index
    %get3A_6 = arith.constant 0 : index
    %get3A_7 = vector.load %arg5[%get3A_4, %get3A_5, %get3A_6] : memref<4x2x128xf32, #tpu.memory_space<vmem>>, vector<1x1x128xf32>
    %get3A_8 = vector.shape_cast %get3A_7 : vector<1x1x128xf32> to vector<128xf32>
    %get3A_9 = arith.constant 0 : index
    %get3A_10 = arith.constant 0 : index
    %get3A_11 = arith.constant 0 : index
    %get3A_12 = vector.load %arg5[%get3A_9, %get3A_10, %get3A_11] : memref<4x2x128xf32, #tpu.memory_space<vmem>>, vector<1x1x128xf32>
    %get3A_13 = vector.shape_cast %get3A_12 : vector<1x1x128xf32> to vector<128xf32>
    %broadcast_in_dim3A = vector.shape_cast %gt3A_3 : vector<32x1xi1> to vector<32x1xi1>
    %broadcast_in_dim3A_14 = vector.broadcast %broadcast_in_dim3A : vector<32x1xi1> to vector<32x128xi1>
    %broadcast_in_dim3A_15 = vector.shape_cast %get3A_8 : vector<128xf32> to vector<1x128xf32>
    %broadcast_in_dim3A_16 = vector.broadcast %broadcast_in_dim3A_15 : vector<1x128xf32> to vector<32x128xf32>
    %broadcast_in_dim3A_17 = vector.shape_cast %get3A_13 : vector<128xf32> to vector<1x128xf32>
    %broadcast_in_dim3A_18 = vector.broadcast %broadcast_in_dim3A_17 : vector<1x128xf32> to vector<32x128xf32>
    %select_n3A = arith.select %broadcast_in_dim3A_14, %broadcast_in_dim3A_16, %broadcast_in_dim3A_18 : vector<32x128xi1>, vector<32x128xf32>
    %get3A_19 = arith.constant 1 : index
    %get3A_20 = arith.constant 1 : index
    %get3A_21 = arith.constant 0 : index
    %get3A_22 = vector.load %arg5[%get3A_19, %get3A_20, %get3A_21] : memref<4x2x128xf32, #tpu.memory_space<vmem>>, vector<1x1x128xf32>
    %get3A_23 = vector.shape_cast %get3A_22 : vector<1x1x128xf32> to vector<128xf32>
    %get3A_24 = arith.constant 1 : index
    %get3A_25 = arith.constant 0 : index
    %get3A_26 = arith.constant 0 : index
    %get3A_27 = vector.load %arg5[%get3A_24, %get3A_25, %get3A_26] : memref<4x2x128xf32, #tpu.memory_space<vmem>>, vector<1x1x128xf32>
    %get3A_28 = vector.shape_cast %get3A_27 : vector<1x1x128xf32> to vector<128xf32>
    %broadcast_in_dim3A_29 = vector.shape_cast %gt3A_3 : vector<32x1xi1> to vector<32x1xi1>
    %broadcast_in_dim3A_30 = vector.broadcast %broadcast_in_dim3A_29 : vector<32x1xi1> to vector<32x128xi1>
    %broadcast_in_dim3A_31 = vector.shape_cast %get3A_23 : vector<128xf32> to vector<1x128xf32>
    %broadcast_in_dim3A_32 = vector.broadcast %broadcast_in_dim3A_31 : vector<1x128xf32> to vector<32x128xf32>
    %broadcast_in_dim3A_33 = vector.shape_cast %get3A_28 : vector<128xf32> to vector<1x128xf32>
    %broadcast_in_dim3A_34 = vector.broadcast %broadcast_in_dim3A_33 : vector<1x128xf32> to vector<32x128xf32>
    %select_n3A_35 = arith.select %broadcast_in_dim3A_30, %broadcast_in_dim3A_32, %broadcast_in_dim3A_34 : vector<32x128xi1>, vector<32x128xf32>
    %get3A_36 = arith.constant 2 : index
    %get3A_37 = arith.constant 1 : index
    %get3A_38 = arith.constant 0 : index
    %get3A_39 = vector.load %arg5[%get3A_36, %get3A_37, %get3A_38] : memref<4x2x128xf32, #tpu.memory_space<vmem>>, vector<1x1x128xf32>
    %get3A_40 = vector.shape_cast %get3A_39 : vector<1x1x128xf32> to vector<128xf32>
    %get3A_41 = arith.constant 2 : index
    %get3A_42 = arith.constant 0 : index
    %get3A_43 = arith.constant 0 : index
    %get3A_44 = vector.load %arg5[%get3A_41, %get3A_42, %get3A_43] : memref<4x2x128xf32, #tpu.memory_space<vmem>>, vector<1x1x128xf32>
    %get3A_45 = vector.shape_cast %get3A_44 : vector<1x1x128xf32> to vector<128xf32>
    %broadcast_in_dim3A_46 = vector.shape_cast %gt3A_3 : vector<32x1xi1> to vector<32x1xi1>
    %broadcast_in_dim3A_47 = vector.broadcast %broadcast_in_dim3A_46 : vector<32x1xi1> to vector<32x128xi1>
    %broadcast_in_dim3A_48 = vector.shape_cast %get3A_40 : vector<128xf32> to vector<1x128xf32>
    %broadcast_in_dim3A_49 = vector.broadcast %broadcast_in_dim3A_48 : vector<1x128xf32> to vector<32x128xf32>
    %broadcast_in_dim3A_50 = vector.shape_cast %get3A_45 : vector<128xf32> to vector<1x128xf32>
    %broadcast_in_dim3A_51 = vector.broadcast %broadcast_in_dim3A_50 : vector<1x128xf32> to vector<32x128xf32>
    %select_n3A_52 = arith.select %broadcast_in_dim3A_47, %broadcast_in_dim3A_49, %broadcast_in_dim3A_51 : vector<32x128xi1>, vector<32x128xf32>
    %get3A_53 = arith.constant 3 : index
    %get3A_54 = arith.constant 1 : index
    %get3A_55 = arith.constant 0 : index
    %get3A_56 = vector.load %arg5[%get3A_53, %get3A_54, %get3A_55] : memref<4x2x128xf32, #tpu.memory_space<vmem>>, vector<1x1x128xf32>
    %get3A_57 = vector.shape_cast %get3A_56 : vector<1x1x128xf32> to vector<128xf32>
    %get3A_58 = arith.constant 3 : index
    %get3A_59 = arith.constant 0 : index
    %get3A_60 = arith.constant 0 : index
    %get3A_61 = vector.load %arg5[%get3A_58, %get3A_59, %get3A_60] : memref<4x2x128xf32, #tpu.memory_space<vmem>>, vector<1x1x128xf32>
    %get3A_62 = vector.shape_cast %get3A_61 : vector<1x1x128xf32> to vector<128xf32>
    %broadcast_in_dim3A_63 = vector.shape_cast %gt3A_3 : vector<32x1xi1> to vector<32x1xi1>
    %broadcast_in_dim3A_64 = vector.broadcast %broadcast_in_dim3A_63 : vector<32x1xi1> to vector<32x128xi1>
    %broadcast_in_dim3A_65 = vector.shape_cast %get3A_57 : vector<128xf32> to vector<1x128xf32>
    %broadcast_in_dim3A_66 = vector.broadcast %broadcast_in_dim3A_65 : vector<1x128xf32> to vector<32x128xf32>
    %broadcast_in_dim3A_67 = vector.shape_cast %get3A_62 : vector<128xf32> to vector<1x128xf32>
    %broadcast_in_dim3A_68 = vector.broadcast %broadcast_in_dim3A_67 : vector<1x128xf32> to vector<32x128xf32>
    %select_n3A_69 = arith.select %broadcast_in_dim3A_64, %broadcast_in_dim3A_66, %broadcast_in_dim3A_68 : vector<32x128xi1>, vector<32x128xf32>
    %get3A_70 = arith.constant 0 : index
    %get3A_71 = arith.constant 0 : index
    %get3A_72 = arith.constant 0 : index
    %get3A_73 = vector.load %arg4[%get3A_70, %get3A_71, %get3A_72] : memref<1x32x1xf32, #tpu.memory_space<vmem>>, vector<1x32x1xf32>
    %get3A_74 = vector.shape_cast %get3A_73 : vector<1x32x1xf32> to vector<32x1xf32>
    %add3A_75 = arith.addf %select_n3A, %select_n3A_52 : vector<32x128xf32>
    %sub3A = arith.subf %select_n3A_69, %select_n3A_52 : vector<32x128xf32>
    %mul3A_76 = arith.constant 1.000000e-03 : f32
    %mul3A_77 = vector.broadcast %mul3A_76 : f32 to vector<32x1xf32>
    %mul3A_78 = arith.mulf %get3A_74, %mul3A_77 : vector<32x1xf32>
    %mul3A_79 = vector.broadcast %mul3A_78 : vector<32x1xf32> to vector<32x128xf32>
    %mul3A_80 = arith.mulf %sub3A, %mul3A_79 : vector<32x128xf32>
    %add3A_81 = arith.addf %add3A_75, %mul3A_80 : vector<32x128xf32>
    %sub3A_82 = arith.subf %select_n3A_35, %select_n3A : vector<32x128xf32>
    %mul3A_83 = arith.constant 0.00999999977 : f32
    %mul3A_84 = vector.broadcast %mul3A_83 : f32 to vector<32x128xf32>
    %mul3A_85 = arith.mulf %sub3A_82, %mul3A_84 : vector<32x128xf32>
    %get3A_86 = arith.constant 0 : index
    %get3A_87 = arith.constant 0 : index
    %get3A_88 = arith.constant 0 : index
    %get3A_89 = arith.constant 0 : index
    %get3A_90 = vector.load %arg3[%get3A_86, %get3A_87, %get3A_88, %get3A_89] : memref<1x32x128x4xf32, #tpu.memory_space<vmem>>, vector<1x32x128x4xf32>
    %get3A_91 = vector.shape_cast %get3A_90 : vector<1x32x128x4xf32> to vector<32x128x4xf32>
    %slice3A = vector.extract_strided_slice %get3A_91 {offsets = [0, 0, 0], sizes = [32, 128, 1], strides = [1, 1, 1]} : vector<32x128x4xf32> to vector<32x128x1xf32>
    %broadcast_in_dim3A_92 = vector.shape_cast %slice3A : vector<32x128x1xf32> to vector<32x128x1xf32>
    %broadcast_in_dim3A_93 = vector.broadcast %broadcast_in_dim3A_92 : vector<32x128x1xf32> to vector<32x128x32xf32>
    %slice3A_94 = vector.extract_strided_slice %get3A_91 {offsets = [0, 0, 1], sizes = [32, 128, 1], strides = [1, 1, 1]} : vector<32x128x4xf32> to vector<32x128x1xf32>
    %broadcast_in_dim3A_95 = vector.shape_cast %slice3A_94 : vector<32x128x1xf32> to vector<32x128x1xf32>
    %broadcast_in_dim3A_96 = vector.broadcast %broadcast_in_dim3A_95 : vector<32x128x1xf32> to vector<32x128x32xf32>
    %slice3A_97 = vector.extract_strided_slice %get3A_91 {offsets = [0, 0, 2], sizes = [32, 128, 1], strides = [1, 1, 1]} : vector<32x128x4xf32> to vector<32x128x1xf32>
    %broadcast_in_dim3A_98 = vector.shape_cast %slice3A_97 : vector<32x128x1xf32> to vector<32x128x1xf32>
    %broadcast_in_dim3A_99 = vector.broadcast %broadcast_in_dim3A_98 : vector<32x128x1xf32> to vector<32x128x32xf32>
    %slice3A_100 = vector.extract_strided_slice %get3A_91 {offsets = [0, 0, 3], sizes = [32, 128, 1], strides = [1, 1, 1]} : vector<32x128x4xf32> to vector<32x128x1xf32>
    %broadcast_in_dim3A_101 = vector.shape_cast %slice3A_100 : vector<32x128x1xf32> to vector<32x128x1xf32>
    %broadcast_in_dim3A_102 = vector.broadcast %broadcast_in_dim3A_101 : vector<32x128x1xf32> to vector<32x128x32xf32>
    %concatenate3A = tpu.concatenate %broadcast_in_dim3A_93, %broadcast_in_dim3A_96, %broadcast_in_dim3A_99, %broadcast_in_dim3A_102 in 2 : vector<32x128x32xf32>, vector<32x128x32xf32>, vector<32x128x32xf32>, vector<32x128x32xf32> -> vector<32x128x128xf32>
    %broadcast_in_dim3A_103 = vector.shape_cast %add3A_81 : vector<32x128xf32> to vector<32x1x128xf32>
    %broadcast_in_dim3A_104 = vector.shape_cast %mul3A_85 : vector<32x128xf32> to vector<32x1x128xf32>
    %mul3A_105 = vector.broadcast %broadcast_in_dim3A_104 : vector<32x1x128xf32> to vector<32x128x128xf32>
    %mul3A_106 = arith.mulf %mul3A_105, %concatenate3A : vector<32x128x128xf32>
    %add3A_107 = vector.broadcast %broadcast_in_dim3A_103 : vector<32x1x128xf32> to vector<32x128x128xf32>
    %add3A_108 = arith.addf %add3A_107, %mul3A_106 : vector<32x128x128xf32>
    %swap3A = arith.constant 0 : index
    %swap3A_109 = arith.constant 0 : index
    %swap3A_110 = arith.constant 0 : index
    %swap3A_111 = arith.constant 0 : index
    %swap3A_112 = vector.load %arg6[%swap3A, %swap3A_109, %swap3A_110, %swap3A_111] : memref<1x32x128x128xf32, #tpu.memory_space<vmem>>, vector<1x32x128x128xf32>
    %swap3A_113 = vector.shape_cast %swap3A_112 : vector<1x32x128x128xf32> to vector<32x128x128xf32>
    %swap3A_114 = vector.shape_cast %add3A_108 : vector<32x128x128xf32> to vector<1x32x128x128xf32>
    tpu.vector_store %arg6[%swap3A, %swap3A_109, %swap3A_110, %swap3A_111], %swap3A_114 {strides = array<i32>} : memref<1x32x128x128xf32, #tpu.memory_space<vmem>>, vector<1x32x128x128xf32>,
    return
  }
  func.func @transform_0(%arg0: i32, %arg1: i32, %arg2: memref<16xi32, #tpu.memory_space<smem>>) -> (i32, i32, i32, i32) {
    %c0_i32 = arith.constant 0 : i32
    %c0_i32_0 = arith.constant 0 : i32
    %c0_i32_1 = arith.constant 0 : i32
    return %arg0, %arg1, %c0_i32, %c0_i32_0 : i32, i32, i32, i32
  }
  func.func @transform_1(%arg0: i32, %arg1: i32, %arg2: memref<16xi32, #tpu.memory_space<smem>>) -> (i32, i32, i32) {
    %c0_i32 = arith.constant 0 : i32
    %c0_i32_0 = arith.constant 0 : i32
    return %arg0, %arg1, %c0_i32 : i32, i32, i32
  }
  func.func @transform_2(%arg0: i32, %arg1: i32, %arg2: memref<16xi32, #tpu.memory_space<smem>>) -> (i32, i32, i32) {
    %c0_i32 = arith.constant 0 : i32
    %c0_i32_0 = arith.constant 0 : i32
    %c0_i32_1 = arith.constant 0 : i32
    %c0_i32_2 = arith.constant 0 : i32
    return %c0_i32, %c0_i32_0, %c0_i32_1 : i32, i32, i32
  }
  func.func @transform_3(%arg0: i32, %arg1: i32, %arg2: memref<16xi32, #tpu.memory_space<smem>>) -> (i32, i32, i32, i32) {
    %c0_i32 = arith.constant 0 : i32
    %c0_i32_0 = arith.constant 0 : i32
    %c0_i32_1 = arith.constant 0 : i32
    return %arg0, %arg1, %c0_i32, %c0_i32_0 : i32, i32, i32, i32
  }
}

</mosaic_0001>

<sc_bundles>
// kernel: sparse-core-data-format-call.cloned.1.call-start
scs
called_computation_lowered:
.L_overlay_start_0:
0x0: {  	s2 =	sld [smem:$0x3FD9]  }
0x1: {  	s3 =	sld [smem:$0x3FFE];
	_ =	sdelay $0x1  }
0x2: {  	s1 =	srdreg.scid  }
0x3: {  	s0 =	sand.u32 $0x1, s1  }
0x4: {  	s18 =	sshll.u32 s0, $0xA;
	s2 =	sadd.s32 s3, s2  }
0x5: {  	s2 =	sadd.s32 s2, s18  }
0x6: {  	[smem:$0x3FC1] =	sst s2  }
0x7: {  	_ = 	snop  }
0x8: {  	s2 =	sld [smem:$0x3FD0];
	(tm) =	ssettm $0x1  }
0x9: {  	s19 =	sld [smem:$0x3FFB];
	_ =	sdelay $0x3  }
0xa: {  	_ =	strace s19  }
0xb: {  	s3 =	sld [smem:$0x3FFC];
	_ =	sdelay $0x3  }
0xc: {  	_ =	strace s3  }
0xd: {  	s3 =	sld [smem:$0x3FFD];
	_ =	sdelay $0x3  }
0xe: {  	_ =	strace s3  }
0xf: {  	_ =	strace $0x8FFFFFFF  }
0x10: {  	s20 =	sld [smem:$0x3FDB];
	_ =	sdelay $0x1  }
0x11: {  	s4 =	simm.s32 $_scs_section_size  }
0x12: {  	s5 =	simm.s32 $_size__tile_overlayer_lowered;
	s6 =	simm.s32 $_tile_overlayer_lowered  }
0x13: {  	s23 =	simm.s32 $0x1BFF;
	s22 =	sshll.u32 s6, $0x1;
	s3 =	sadd.s32 s4, s20  }
0x14: {  	s7 =	simm.s32 $0x0;
	s21 =	sshll.u32 s5, $0x1;
	s5 =	sadd.s32 s22, s3  }
0x15: {  	[timem:s7], [sflag:s23] =	dma.local [hbm:s5], s21  }
0x16: {  	_ =	swait.ge [sflag:s23], s21  }
0x17: {  	s4 =	ssub.s32 $0x0, s21;
	[sflag:s23] =	ssyncset.done $0x0  }
0x18: {  	[sflag:s23] =	ssyncadd.s32 s4;
	_ =	sdelay $0x1  }
0x19: {  	s24 =	simm.s32 $0x1B8B  }
0x1a: {  	_ =	swait.ge [sflag:s24], $0x1  }
0x1b: {  	[sflag:s24] =	ssyncset.done $0x0  }
0x1c: {  	s26 =	simm.s32 $0x1B8E;
	s25 =	sld [smem:$0x3FFE];
	[sflag:s24] =	ssyncadd.s32 $0xFFFFFFFF  }
0x1d: {  	s27 =	simm.s32 $execute0_lowered;
	[smem:$0x3FD2] =	sst s26  }
0x1e: {  	s5 =	sshll.u32 s27, $0x1;
	_ =	strace $0x80000046;
	[dreg:$0x1] =	wrdreg $0xFFFFFFFF  }
0x1f: {  	s28 =	simm.s32 $_size_execute0_lowered;
	s3 =	sadd.s32 s3, s5;
	[dreg:$0x0] =	wrdreg $0x0  }
0x20: {  	s5 =	sshll.u32 s28, $0x1;
	[dreg:$0x2] =	wrdreg s3  }
0x21: {  	[dreg:$0x3] =	wrdreg s5  }
0x22: {  	[dreg:$0x4] =	wrdreg $0xC0  }
0x23: {  	_ =	task [dreg:s7], $0x5FFFF  }
0x24: {  	[dreg:$0x1] =	wrdreg $0xFFFFFFFF  }
0x25: {  	[dreg:$0x0] =	wrdreg $0x60  }
0x26: {  	[dreg:$0x2] =	wrdreg s25  }
0x27: {  	[dreg:$0x3] =	wrdreg s2  }
0x28: {  	[dreg:$0x4] =	wrdreg $0x9  }
0x29: {  	_ =	task.clear_ibuf [dreg:s7], $0x5FFFF;
	_ =	strace $0x90000046  }
0x2a: {  	s29 =	simm.s32 $0x9;
	_ =	strace $0x80000048  }
0x2b: {  	_ =	swait.ge [sflag:s29], $0x1  }
0x2c: {  	[sflag:s29] =	ssyncadd.s32 $0xFFFFFFFF  }
0x2d: {  	_ =	strace $0x90000048  }
0x2e: {  	_ =	sfence  }
0x2f: {  	s30 =	sld [smem:$0x0];
	_ =	sdelay $0x2  }
0x30: {  	s31 =	sshll.u32 s1, $0xD;
	s1 =	sshrl.u32 s1, $0x2  }
0x31: {  	s3 =	sand.u32 $0x4000, s31;
	s1 =	sadd.s32 s1, s30  }
0x32: {  	s0 =	sor.u32 s3, s0;
	s1 =	sshll.u32 s1, $0x11  }
0x33: {  	s0 =	sor.u32 s1, s0  }
0x34: {  	s0 =	sadd.s32 $0x8F2B, s0  }
0x35: {  	[sflag:s0] =	ssyncadd.remote.s32 $0x1  }
0x36: {  	_ =	sfence.sel $0xFFFF  }
0x37: {  	[dreg:$0x0] =	wrdreg $0xFFFFFFFF;
	(pc) =	sbr.abs _section_cstart, $3  }
0x38: {  	[dreg:$0x1] =	wrdreg $0xFFFFFFFF  }
0x39: {  	_ =	task.clear_ibuf [dreg:s7], $0x2FFFF;
	_ =	strace $0x9FFFFFFF  }
0x3a: {  	(tm) =	ssettm $0x7FFFFFFF  }
0x3b: {  	_ =	shalt  }
tec
execute0_lowered:
.L_overlay_start_1:
0x0: {  	(tag) =	ssettag $0x1  }
0x1: {  	s3 =	rddreg [dreg:$0x0]  }
0x2: {  	s0 =	srdreg.scid;
	s1 =	rddreg [dreg:$0x1]  }
0x3: {  	s5 =	simm.s32 $0x1;
	s7 =	simm.s32 $0x2;
	s15 =	simm.s32 $0x0  }
0x4: {  	p0 =	por $0x0, $0x0;
	s8 =	simm.s32 $0x4000;
	s0 =	sshll.u32 s0, $0x7  }
0x5: {  	s13 =	simm.s32 $0x0;
	s14 =	simm.s32 $0x0;
	s2 =	sand.u32 $0x80, s0  }
0x6: {  	s9 =	simm.s32 $0x0;
	s11 =	stileid.u32;
	s6 =	ssub.s32 $0x200, s2  }
.Ltmp0:
0x7: {  	s12 =	simm.s32 $0x0;
	s31 =	sshrl.u32 s6, $0x7;
	(pc) =	sbr.rel .LBB1_1-.Ltmp0, $4  }
0x8: {  	s4 =	sadd.s32 $0x400600, s3;
	s6 =	sshrl.u32 s6, $0x8;
	s3 =	sand.u32 $0x1, s31  }
0x9: {  	s0 =	rddreg [dreg:$0x2];
	_ =	strace $0x80000047;
	s6 =	sadd.s32 s6, s3  }
0xa: {  	[sflag:s5] =	ssyncpa.u1 $0x0;
	s10 =	smov.u32 s2;
	s6 =	sshll.u32 s6, $0x5  }
0xb: {  	[sflag:s7] =	ssyncpa.u1 $0x0;
	s3 =	stileid.u32;
	s7 =	sor.u32 $0x1, s6  }
.LBB1_4:
0xc: {  	v5 =	vld [tilespmem:s18+$0xFFFFFFD0];
	[tilespmem:s19+$0x2040 ss:$0x81] =	vst.msk $0xffff, v1  }
0xd: {  	v58 =	vld [tilespmem:s18+$0xFFFFFFE0];
	[tilespmem:s19+$0x2850 ss:$0x81] =	vst.msk $0xffff, v2  }
0xe: {  	s20 =	sshra.s32 s20, $0x2;
	v59 =	vld [tilespmem:s18+$0xFFFFFFF0];
	[tilespmem:s19+$0x3060 ss:$0x81] =	vst.msk $0xffff, v3  }
0xf: {  	v60 =	vld [tilespmem:s18+$0x0];
	[tilespmem:s19+$0x0 ss:$0x81] =	vst.msk $0xffff, v0;
	s17 =	sadd.s32 s20, s17  }
0x10: {  	v61 =	vld [tilespmem:s18+$0x10];
	s25 =	sshll.u32 s15, $0x9;
	[tilespmem:s17+$0x3870 ss:$0x81] =	vst.msk $0xffff, v4  }
0x11: {  	s26 =	sshll.u32 s13, $0x3;
	v62 =	vld [tilespmem:s18+$0x20];
	s27 =	sshll.u32 s15, $0x7;
	s30 =	sand.u32 $0x78, s13;
	[tilespmem:s17+$0x810 ss:$0x81] =	vst.msk $0xffff, v5  }
0x12: {  	v63 =	vld [tilespmem:s18+$0xFFFFFFC0];
	s14 =	sshll.u32 s14, $0x12;
	s19 =	sand.u32 $0x3000, s25;
	s20 =	sand.u32 $0x3C00, s26;
	[tilespmem:s17+$0x1020 ss:$0x81] =	vst.msk $0xffff, v58  }
0x13: {  	s29 =	sand.u32 $0x200, s27;
	s15 =	sand.u32 $0x180, s27;
	s28 =	sadd.s32 s20, s19;
	[tilespmem:s17+$0x1830 ss:$0x81] =	vst.msk $0xffff, v59  }
0x14: {  	s31 =	sand.u32 $0x7, s13;
	s15 =	sor.u32 s30, s15;
	s18 =	sor.u32 s29, s28;
	[tilespmem:s17+$0x2040 ss:$0x81] =	vst.msk $0xffff, v60  }
0x15: {  	s14 =	sadd.s32 s1, s14;
	s15 =	sshrl.u32 s15, $0x3;
	s18 =	sshrl.u32 s18, $0x3;
	[tilespmem:s17+$0x2850 ss:$0x81] =	vst.msk $0xffff, v61  }
0x16: {  	s13 =	sshll.u32 s31, $0x12;
	s14 =	sadd.s32 s15, s14;
	[tilespmem:s17+$0x3060 ss:$0x81] =	vst.msk $0xffff, v62;
	s18 =	sand.u32 $0x7C0, s18  }
0x17: {  	s13 =	sor.u32 $0x80, s13;
	[tilespmem:s17+$0x0 ss:$0x81] =	vst.msk $0xffff, v63;
	s14 =	sadd.s32 s18, s14  }
0x18: {  	[hbm4b:s14+s13] =	stream.strided.scatter [tilespmem:s16], [sflag:$0x2], $0x4000, s8, s13, $0x20;
	[tilespmem:$0x10100] =	vst v63  }
.LBB1_5:
0x19: {  	s16 =	sadd.s32 $0x1, s9  }
0x1a: {  	s13 =	sadd.s32 $0x100, s10;
	s17 =	smov.u32 s10;
	p2 =	sgt.s32 s16, $0x1F  }
0x1b: {  	s17 =	smov.u32 @p2 s13  }
0x1c: {  	s19 =	smov.u32 s11;
	s13 =	sadd.s32 $0x10, s11;
	p3 =	sgt.s32 s17, $0x1FF  }
0x1d: {  	s19 =	smov.u32 @p3 s13  }
0x1e: {  	s16 =	simm.s32 @p2 $0x0;
	p2 =	sgt.s32 s19, $0xF  }
0x1f: {  	p1 =	slt.u32 s12, $0x2;
	s19 =	smov.u32 @p2 s3;
	p2 =	sne.s32 s12, s7  }
.Ltmp1:
0x20: {  	s18 =	simm.s32 @!p1 $0x2;
	(pc) =	sbr.rel @!p2 .LBB1_6-.Ltmp1, $4  }
0x21: {  	s15 =	smov.u32 s9;
	s14 =	smov.u32 s11;
	_ =	swait.ge @!p1 [sflag:s18], $0x4000  }
0x22: {  	p0 =	por !p0, !p0;
	[sflag:s18] =	ssyncset.done @!p1 $0x0;
	s9 =	smov.u32 s16  }
0x23: {  	s17 =	smov.u32 @p3 s2;
	s13 =	smov.u32 s10;
	[sflag:s18] =	ssyncadd.s32 @!p1 $0xFFFFC000  }
0x24: {  	s10 =	smov.u32 s17;
	s12 =	sadd.s32 $0x1, s12;
	s11 =	smov.u32 s19  }
.LBB1_1:
0x25: {  	p1 =	sge.u32 s12, s6;
	s31 =	sadd.s32 $0xFFFFFFFF, s12  }
0x26: {  	s16 =	sxor.u32 @!p1 $0xFFFFFFFF, s12;
	s17 =	sshll.u32 @!p1 s11, $0x12;
	s18 =	sshll.u32 @!p1 s10, $0x9  }
0x27: {  	s19 =	sshll.u32 @!p1 s9, $0x4;
	s16 =	sshll.u32 @!p1 s16, $0xE;
	s17 =	sadd.s32 @!p1 s4, s17  }
0x28: {  	s19 =	sand.u32 @!p1 $0x1F0, s19;
	s16 =	sand.u32 @!p1 $0x4000, s16;
	s17 =	sadd.s32 @!p1 s18, s17  }
0x29: {  	s18 =	simm.s32 @!p1 $0x80;
	s17 =	sadd.s32 @!p1 s19, s17;
	s19 =	simm.s32 @!p1 $0x1000  }
0x2a: {  	[tilespmem:s16], [sflag:$0x1] =	stream.strided.gather @!p1 [hbm4b:s17+s18], $0x4000, s19, s18, $0x38;
	[tilespmem:$0x10100] =	vst v63  }
0x2b: {  	p1 =	sge.u32 s31, s6  }
.Ltmp2:
0x2c: {  	_ = 	snop;
	(pc) =	sbr.rel @p1 .LBB1_5-.Ltmp2, $1  }
0x2d: {  	_ =	sdelay $0x3  }
0x2e: {  	s16 =	simm.s32 $0x1  }
0x2f: {  	_ =	swait.ge [sflag:s5], $0x4000;
	s16 =	simm.s32 @!p0 $0x0  }
0x30: {  	[sflag:s5] =	ssyncset.done $0x0;
	s17 =	sshll.u32 s16, $0xE  }
0x31: {  	[sflag:s5] =	ssyncadd.s32 $0xFFFFC000;
	s18 =	sor.u32 $0x40, s17  }
0x32: {  	s16 =	smul.u32 $0x10200, s16;
	v0 =	vld [tilespmem:s18+$0x30]  }
0x33: {  	v3 =	vld [tilespmem:s18+$0xFFFFFFD0]  }
0x34: {  	s16 =	sshrl.u32 s16, $0x2;
	v4 =	vld [tilespmem:s18+$0xFFFFFFE0]  }
0x35: {  	v5 =	vld [tilespmem:s18+$0xFFFFFFF0];
	s17 =	sor.u32 $0x8000, s16  }
0x36: {  	s31 =	sand.u32 $0x1, s12;
	v1 =	vld [tilespmem:s18+$0x0];
	s19 =	sadd.s32 $0x0, s17  }
0x37: {  	v2 =	vld [tilespmem:s18+$0x10];
	s16 =	smul.u32 $0x10200, s31;
	[tilespmem:s19+$0x3870 ss:$0x81] =	vst.msk $0xffff, v0  }
0x38: {  	[tilespmem:s19+$0x810 ss:$0x81] =	vst.msk $0xffff, v3;
	v3 =	vld [tilespmem:s18+$0x20]  }
0x39: {  	s16 =	sshrl.u32 s16, $0x2;
	v0 =	vld [tilespmem:s18+$0xFFFFFFC0];
	[tilespmem:s19+$0x1020 ss:$0x81] =	vst.msk $0xffff, v4;
	s18 =	sadd.s32 $0x80, s18  }
0x3a: {  	s20 =	simm.s32 $0x4;
	s21 =	simm.s32 $0x8;
	s16 =	sor.u32 $0x8000, s16;
	[tilespmem:s19+$0x1830 ss:$0x81] =	vst.msk $0xffff, v5;
	v4 =	vld [tilespmem:s18+$0x30]  }
.LBB1_3:
0x3b: {  	p1 =	sne.s32 s21, $0x1FC;
	v5 =	vld [tilespmem:s18+$0xFFFFFFD0];
	[tilespmem:s19+$0x2040 ss:$0x81] =	vst.msk $0xffff, v1  }
0x3c: {  	v6 =	vld [tilespmem:s18+$0xFFFFFFE0];
	[tilespmem:s19+$0x2850 ss:$0x81] =	vst.msk $0xffff, v2  }
0x3d: {  	s22 =	sshra.s32 s20, $0x2;
	s20 =	smov.u32 s21;
	v7 =	vld [tilespmem:s18+$0xFFFFFFF0];
	[tilespmem:s19+$0x3060 ss:$0x81] =	vst.msk $0xffff, v3  }
.Ltmp3:
0x3e: {  	v1 =	vld [tilespmem:s18+$0x0];
	[tilespmem:s19+$0x0 ss:$0x81] =	vst.msk $0xffff, v0;
	s19 =	sadd.s32 s22, s17;
	(pc) =	sbr.rel @p1 .LBB1_3-.Ltmp3, $4  }
0x3f: {  	v2 =	vld [tilespmem:s18+$0x10];
	[tilespmem:s19+$0x3870 ss:$0x81] =	vst.msk $0xffff, v4  }
0x40: {  	[tilespmem:s19+$0x810 ss:$0x81] =	vst.msk $0xffff, v5;
	v3 =	vld [tilespmem:s18+$0x20]  }
0x41: {  	v0 =	vld [tilespmem:s18+$0xFFFFFFC0];
	[tilespmem:s19+$0x1020 ss:$0x81] =	vst.msk $0xffff, v6;
	s18 =	sadd.s32 $0x80, s18  }
0x42: {  	s21 =	sadd.s32 $0x4, s21;
	v4 =	vld [tilespmem:s18+$0x30];
	[tilespmem:s19+$0x1830 ss:$0x81] =	vst.msk $0xffff, v7  }
.Ltmp4:
0x43: {  	_ = 	snop;
	(pc) =	sbr.rel .LBB1_4-.Ltmp4, $1  }
0x44: {  	_ =	sdelay $0x3  }
.LBB1_6:
0x45: {  	_ =	sfence.sel $0x180000  }
0x46: {  	s1 =	simm.s32 $0x1;
	[bflag:$0x0] =	sbarrier.arrive $0xFFFF  }
0x47: {  	s31 =	simm.s32 $0x2;
	[sflag:s1] =	ssyncpa.u1 $0x1  }
0x48: {  	[sflag:s31] =	ssyncpa.u1 $0x1  }
0x49: {  	p0 =	sne.s32 s3, $0x0;
	_ =	strace $0x90000047  }
0x4a: {  	s0 =	sadd.s32 @!p0 $0x100000, s0;
	[bflag:$0x2] =	sbarrier.arrive $0xFFFF  }
0x4b: {  	[sflag:s0] =	ssyncadd.tile.s32 @!p0 $0x1;
	_ =	shalt  }
.Lfunc_end1:
_tile_overlayer_lowered:
.L_overlay_start_2:
0x4c: {  	(tag) =	ssettag $0x2  }
0x4d: {  	s0 =	rddreg [dreg:$0x0];
	s2 =	stileid.u32  }
0x4e: {  	s1 =	rddreg [dreg:$0x1];
	p0 =	sne.s32 s2, $0x0  }
0x4f: {  	s3 =	rddreg [dreg:$0x2];
	[bflag:$0x3] =	sbarrier.arrive $0xFFFF;
	s2 =	simm.s32 @!p0 $0x1C01  }
0x50: {  	[timem:s3], [sflag:s2] =	dma.local @!p0 [hbm:s0], s1  }
0x51: {  	s0 =	simm.s32 @!p0 $0x1  }
0x52: {  	_ =	swait.ge @!p0 [sflag:s0], s1  }
0x53: {  	s1 =	ssub.s32 @!p0 $0x0, s1;
	[sflag:s0] =	ssyncset.done @!p0 $0x0  }
0x54: {  	[sflag:s0] =	ssyncadd.s32 @!p0 s1  }
0x55: {  	[bflag:$0x3] =	sbarrier.arrive $0xFFFF  }
0x56: {  	_ =	shalt  }

</sc_bundles>
